<compile_context>
chip_gen: v7x
topology: tpu7x:2x2x1
jax: 0.10.2.dev20260603
libtpu: 0.0.44.dev20260713+nightly
codegen_flags: <defaults>
</compile_context>

<pallas_src>
import jax
import jax.numpy as jnp
from jax import lax
from jax.experimental import pallas as pl
from jax.experimental.pallas import tpu as pltpu
from jax.experimental.pallas import tpu_sc as plsc

D_MODEL = 128
N_TOKENS = 1024 * 200

NUM_CORES = 2
NUM_SUBCORES = 16
NUM_WORKERS = NUM_CORES * NUM_SUBCORES

B_PER_W = N_TOKENS // NUM_WORKERS
CHUNK = 128
N_CHUNKS = B_PER_W // CHUNK
NBUF = 5
N_GROUPS = N_CHUNKS // NBUF


def _body(tok_hbm, emb_hbm, out_hbm, idx_v, bufs, gsems, osems):
    wid = lax.axis_index("s") * NUM_CORES + lax.axis_index("c")
    base = wid * B_PER_W

    pltpu.sync_copy(tok_hbm.at[wid], idx_v)

    def gather_start(j, b):
        pltpu.async_copy(emb_hbm.at[idx_v.at[j]], bufs[b], gsems[b])

    def scatter_wait(j, b):
        pltpu.make_async_copy(
            bufs[b], out_hbm.at[pl.ds(base + j * CHUNK, CHUNK)], osems[b]
        ).wait()

    for b in range(NBUF):
        gather_start(b, b)

    DEFER = 2

    def group(g, _):
        for b in range(NBUF):
            i = g * NBUF + b
            pltpu.make_async_copy(emb_hbm.at[idx_v.at[i]], bufs[b], gsems[b]).wait()
            pltpu.async_copy(
                bufs[b], out_hbm.at[pl.ds(base + i * CHUNK, CHUNK)], osems[b]
            )

            b2 = (b - DEFER) % NBUF

            @pl.when((i >= DEFER) & (i - DEFER + NBUF < N_CHUNKS))
            def _():
                scatter_wait(i - DEFER, b2)
                gather_start(i - DEFER + NBUF, b2)

        return 0

    lax.fori_loop(0, N_GROUPS, group, 0)

    for j in range(N_CHUNKS - NBUF, N_CHUNKS):
        scatter_wait(j, j % NBUF)


@jax.jit
def _embed(tok3, emb):
    mesh = plsc.VectorSubcoreMesh(core_axis_name="c", subcore_axis_name="s")
    run = pl.kernel(
        _body,
        out_type=jax.ShapeDtypeStruct((N_TOKENS, D_MODEL), jnp.float32),
        mesh=mesh,
        scratch_types=[
            pltpu.VMEM((N_CHUNKS, CHUNK), jnp.int32),
            [pltpu.VMEM((CHUNK, D_MODEL), jnp.float32) for _ in range(NBUF)],
            [pltpu.SemaphoreType.DMA for _ in range(NBUF)],
            [pltpu.SemaphoreType.DMA for _ in range(NBUF)],
        ],
    )
    return run(tok3, emb)


def kernel(tokens, emb):
    tok3 = tokens.astype(jnp.int32).reshape(NUM_WORKERS, N_CHUNKS, CHUNK)
    out = _embed(tok3, emb)
    return out.reshape(tokens.shape + (D_MODEL,))

# --- scband reference (transcript-rebuilt; emitter-appended) ---
"""Pipeline reference for scband-embed-42502996361447 (READ-ONLY COPY).

The authoritative reference and input builder live on the scoring server;
editing this copy changes nothing except your own understanding.
"""

import jax, jax.numpy as jnp
import numpy as np

N_VOCAB = 100000
D_MODEL = 128

def setup_inputs(seed: int = 0) -> dict:
    key = jax.random.key(seed)
    k_tok, k_emb = jax.random.split(key)
    tokens = jax.random.randint(k_tok, (1024, 200), 0, N_VOCAB, dtype=jnp.int64) if jax.config.jax_enable_x64 else jax.random.randint(k_tok, (1024, 200), 0, N_VOCAB, dtype=jnp.int32)
    emb = jax.random.normal(k_emb, (N_VOCAB, D_MODEL), dtype=jnp.float32)  # RandomNormal(stddev=1.0, mean=0.0)
    return {"tokens": tokens, "emb": emb}

def reference(tokens, emb):
    # Faithful embedding lookup: gather rows of the embedding matrix by token id.
    return jnp.take(emb, tokens, axis=0)

if __name__ == "__main__":
    import jax
    _d = setup_inputs()
    print(jax.jit(kernel)(*tuple(_d.values())))

</pallas_src>

<mosaic_0001>
#map = affine_map<(d0, d1) -> (0, 0, 0)>
#map1 = affine_map<(d0, d1) -> (0, 0)>
module attributes {stable_mosaic.version = 14 : i64} {
  func.func @_body(%arg0: i32, %arg1: i32, %arg2: memref<32x50x128xi32, #tpu.memory_space<hbm>>, %arg3: memref<100000x128xf32, #tpu.memory_space<hbm>>, %arg4: memref<204800x128xf32, #tpu.memory_space<hbm>>, %arg5: memref<50x128xi32, #tpu.memory_space<vmem>>, %arg6: memref<128x128xf32, #tpu.memory_space<vmem>>, %arg7: memref<128x128xf32, #tpu.memory_space<vmem>>, %arg8: memref<128x128xf32, #tpu.memory_space<vmem>>, %arg9: memref<128x128xf32, #tpu.memory_space<vmem>>, %arg10: memref<128x128xf32, #tpu.memory_space<vmem>>, %arg11: memref<!tpu.dma_semaphore, #tpu.memory_space<semaphore_mem>>, %arg12: memref<!tpu.dma_semaphore, #tpu.memory_space<semaphore_mem>>, %arg13: memref<!tpu.dma_semaphore, #tpu.memory_space<semaphore_mem>>, %arg14: memref<!tpu.dma_semaphore, #tpu.memory_space<semaphore_mem>>, %arg15: memref<!tpu.dma_semaphore, #tpu.memory_space<semaphore_mem>>, %arg16: memref<!tpu.dma_semaphore, #tpu.memory_space<semaphore_mem>>, %arg17: memref<!tpu.dma_semaphore, #tpu.memory_space<semaphore_mem>>, %arg18: memref<!tpu.dma_semaphore, #tpu.memory_space<semaphore_mem>>, %arg19: memref<!tpu.dma_semaphore, #tpu.memory_space<semaphore_mem>>, %arg20: memref<!tpu.dma_semaphore, #tpu.memory_space<semaphore_mem>>) attributes {dimension_semantics = [#tpu.dimension_semantics<core_parallel>, #tpu.dimension_semantics<subcore_parallel>], iteration_bounds = array<i64: 2, 16>, scalar_prefetch = 0 : i64, scratch_operands = 16 : i64, tpu.core_type = #tpu.core_type<sc_vector_subcore>, window_params = [{transform_indices = #map}, {transform_indices = #map1}, {transform_indices = #map1}]} {
    %mul3A = arith.constant 2 : i32
    %mul3A_0 = arith.muli %arg1, %mul3A : i32
    %add3A = arith.addi %mul3A_0, %arg0 : i32
    %mul3A_1 = arith.constant 6400 : i32
    %mul3A_2 = arith.muli %add3A, %mul3A_1 : i32
    "tpu.region"() ({
      %run_scoped3A = tpu.sem_alloc : memref<!tpu.dma_semaphore, #tpu.memory_space<semaphore_mem>>
      %dma_start3A_72 = arith.constant 0 : i32
      %dma_start3A_73 = arith.constant 0 : i32
      %dma_start3A_74 = tpu.memref_slice %arg2[%add3A, %dma_start3A_72, %dma_start3A_73] : memref<32x50x128xi32, #tpu.memory_space<hbm>> -> memref<1x50x128xi32, #tpu.memory_space<hbm>>
      %dma_start3A_75 = tpu.memref_squeeze %dma_start3A_74 : memref<1x50x128xi32, #tpu.memory_space<hbm>> -> memref<50x128xi32, #tpu.memory_space<hbm>>
      %dma_start3A_76 = arith.constant 0 : i32
      %dma_start3A_77 = arith.constant 0 : i32
      %dma_start3A_78 = tpu.memref_slice %arg2[%add3A, %dma_start3A_76, %dma_start3A_77] : memref<32x50x128xi32, #tpu.memory_space<hbm>> -> memref<1x50x128xi32, #tpu.memory_space<hbm>>
      %dma_start3A_79 = tpu.memref_squeeze %dma_start3A_78 : memref<1x50x128xi32, #tpu.memory_space<hbm>> -> memref<50x128xi32, #tpu.memory_space<hbm>>
      tpu.enqueue_dma source(%dma_start3A_79 : memref<50x128xi32, #tpu.memory_space<hbm>>) target(%arg5 : memref<50x128xi32, #tpu.memory_space<vmem>>) target_semaphore(%run_scoped3A : memref<!tpu.dma_semaphore, #tpu.memory_space<semaphore_mem>>)
      %dma_wait3A_80 = arith.constant 0 : i32
      %dma_wait3A_81 = arith.constant 0 : i32
      %dma_wait3A_82 = tpu.memref_slice %arg2[%add3A, %dma_wait3A_80, %dma_wait3A_81] : memref<32x50x128xi32, #tpu.memory_space<hbm>> -> memref<1x50x128xi32, #tpu.memory_space<hbm>>
      %dma_wait3A_83 = tpu.memref_squeeze %dma_wait3A_82 : memref<1x50x128xi32, #tpu.memory_space<hbm>> -> memref<50x128xi32, #tpu.memory_space<hbm>>
      %dma_wait3A_84 = arith.constant 0 : i32
      %dma_wait3A_85 = arith.constant 0 : i32
      %dma_wait3A_86 = tpu.memref_slice %arg2[%add3A, %dma_wait3A_84, %dma_wait3A_85] : memref<32x50x128xi32, #tpu.memory_space<hbm>> -> memref<1x50x128xi32, #tpu.memory_space<hbm>>
      %dma_wait3A_87 = tpu.memref_squeeze %dma_wait3A_86 : memref<1x50x128xi32, #tpu.memory_space<hbm>> -> memref<50x128xi32, #tpu.memory_space<hbm>>
      tpu.wait_dma2 semaphore(%run_scoped3A : memref<!tpu.dma_semaphore, #tpu.memory_space<semaphore_mem>>) src(%dma_wait3A_87 : memref<50x128xi32, #tpu.memory_space<hbm>>) dst(%arg5 : memref<50x128xi32, #tpu.memory_space<vmem>>)
      tpu.yield
    }) : () -> ()
    %dma_start3A = arith.constant 0 : i32
    %dma_start3A_3 = arith.constant 0 : i32
    %dma_start3A_4 = tpu.memref_slice %arg5[%dma_start3A, %dma_start3A_3] : memref<50x128xi32, #tpu.memory_space<vmem>> -> memref<1x128xi32, #tpu.memory_space<vmem>>
    %dma_start3A_5 = tpu.memref_squeeze %dma_start3A_4 : memref<1x128xi32, #tpu.memory_space<vmem>> -> memref<128xi32, #tpu.memory_space<vmem>>
    %dma_start3A_6 = arith.constant 0 : i32
    %dma_start3A_7 = arith.constant 0 : i32
    %dma_start3A_8 = tpu.memref_slice %arg3[%dma_start3A_6, %dma_start3A_7] : memref<100000x128xf32, #tpu.memory_space<hbm>> -> memref<100000x128xf32, #tpu.memory_space<hbm>>
    tpu.enqueue_indirect_dma source(%dma_start3A_8 : memref<100000x128xf32, #tpu.memory_space<hbm>>) target(%arg6 : memref<128x128xf32, #tpu.memory_space<vmem>>) offsets(%dma_start3A_5 : memref<128xi32, #tpu.memory_space<vmem>>) semaphore(%arg11 : memref<!tpu.dma_semaphore, #tpu.memory_space<semaphore_mem>>)
    %dma_start3A_9 = arith.constant 1 : i32
    %dma_start3A_10 = arith.constant 0 : i32
    %dma_start3A_11 = tpu.memref_slice %arg5[%dma_start3A_9, %dma_start3A_10] : memref<50x128xi32, #tpu.memory_space<vmem>> -> memref<1x128xi32, #tpu.memory_space<vmem>>
    %dma_start3A_12 = tpu.memref_squeeze %dma_start3A_11 : memref<1x128xi32, #tpu.memory_space<vmem>> -> memref<128xi32, #tpu.memory_space<vmem>>
    %dma_start3A_13 = arith.constant 0 : i32
    %dma_start3A_14 = arith.constant 0 : i32
    %dma_start3A_15 = tpu.memref_slice %arg3[%dma_start3A_13, %dma_start3A_14] : memref<100000x128xf32, #tpu.memory_space<hbm>> -> memref<100000x128xf32, #tpu.memory_space<hbm>>
    tpu.enqueue_indirect_dma source(%dma_start3A_15 : memref<100000x128xf32, #tpu.memory_space<hbm>>) target(%arg7 : memref<128x128xf32, #tpu.memory_space<vmem>>) offsets(%dma_start3A_12 : memref<128xi32, #tpu.memory_space<vmem>>) semaphore(%arg12 : memref<!tpu.dma_semaphore, #tpu.memory_space<semaphore_mem>>)
    %dma_start3A_16 = arith.constant 2 : i32
    %dma_start3A_17 = arith.constant 0 : i32
    %dma_start3A_18 = tpu.memref_slice %arg5[%dma_start3A_16, %dma_start3A_17] : memref<50x128xi32, #tpu.memory_space<vmem>> -> memref<1x128xi32, #tpu.memory_space<vmem>>
    %dma_start3A_19 = tpu.memref_squeeze %dma_start3A_18 : memref<1x128xi32, #tpu.memory_space<vmem>> -> memref<128xi32, #tpu.memory_space<vmem>>
    %dma_start3A_20 = arith.constant 0 : i32
    %dma_start3A_21 = arith.constant 0 : i32
    %dma_start3A_22 = tpu.memref_slice %arg3[%dma_start3A_20, %dma_start3A_21] : memref<100000x128xf32, #tpu.memory_space<hbm>> -> memref<100000x128xf32, #tpu.memory_space<hbm>>
    tpu.enqueue_indirect_dma source(%dma_start3A_22 : memref<100000x128xf32, #tpu.memory_space<hbm>>) target(%arg8 : memref<128x128xf32, #tpu.memory_space<vmem>>) offsets(%dma_start3A_19 : memref<128xi32, #tpu.memory_space<vmem>>) semaphore(%arg13 : memref<!tpu.dma_semaphore, #tpu.memory_space<semaphore_mem>>)
    %dma_start3A_23 = arith.constant 3 : i32
    %dma_start3A_24 = arith.constant 0 : i32
    %dma_start3A_25 = tpu.memref_slice %arg5[%dma_start3A_23, %dma_start3A_24] : memref<50x128xi32, #tpu.memory_space<vmem>> -> memref<1x128xi32, #tpu.memory_space<vmem>>
    %dma_start3A_26 = tpu.memref_squeeze %dma_start3A_25 : memref<1x128xi32, #tpu.memory_space<vmem>> -> memref<128xi32, #tpu.memory_space<vmem>>
    %dma_start3A_27 = arith.constant 0 : i32
    %dma_start3A_28 = arith.constant 0 : i32
    %dma_start3A_29 = tpu.memref_slice %arg3[%dma_start3A_27, %dma_start3A_28] : memref<100000x128xf32, #tpu.memory_space<hbm>> -> memref<100000x128xf32, #tpu.memory_space<hbm>>
    tpu.enqueue_indirect_dma source(%dma_start3A_29 : memref<100000x128xf32, #tpu.memory_space<hbm>>) target(%arg9 : memref<128x128xf32, #tpu.memory_space<vmem>>) offsets(%dma_start3A_26 : memref<128xi32, #tpu.memory_space<vmem>>) semaphore(%arg14 : memref<!tpu.dma_semaphore, #tpu.memory_space<semaphore_mem>>)
    %dma_start3A_30 = arith.constant 4 : i32
    %dma_start3A_31 = arith.constant 0 : i32
    %dma_start3A_32 = tpu.memref_slice %arg5[%dma_start3A_30, %dma_start3A_31] : memref<50x128xi32, #tpu.memory_space<vmem>> -> memref<1x128xi32, #tpu.memory_space<vmem>>
    %dma_start3A_33 = tpu.memref_squeeze %dma_start3A_32 : memref<1x128xi32, #tpu.memory_space<vmem>> -> memref<128xi32, #tpu.memory_space<vmem>>
    %dma_start3A_34 = arith.constant 0 : i32
    %dma_start3A_35 = arith.constant 0 : i32
    %dma_start3A_36 = tpu.memref_slice %arg3[%dma_start3A_34, %dma_start3A_35] : memref<100000x128xf32, #tpu.memory_space<hbm>> -> memref<100000x128xf32, #tpu.memory_space<hbm>>
    tpu.enqueue_indirect_dma source(%dma_start3A_36 : memref<100000x128xf32, #tpu.memory_space<hbm>>) target(%arg10 : memref<128x128xf32, #tpu.memory_space<vmem>>) offsets(%dma_start3A_33 : memref<128xi32, #tpu.memory_space<vmem>>) semaphore(%arg15 : memref<!tpu.dma_semaphore, #tpu.memory_space<semaphore_mem>>)
    %scan3A = arith.constant 0 : i32
    %scan3A_37 = arith.constant 0 : i32
    %scan3A_38 = arith.constant 10 : i32
    %scan3A_39 = arith.addi %scan3A_37, %scan3A_38 : i32
    %scan3A_40 = arith.constant 1 : i32
    %scan3A_41 = scf.for %scan3A_72 = %scan3A_37 to %scan3A_39 step %scan3A_40 iter_args(%scan3A_73 = %scan3A) -> (i32)  : i32 {
      %mul3A_74 = arith.constant 5 : i32
      %mul3A_75 = arith.muli %scan3A_72, %mul3A_74 : i32
      %add3A_76 = arith.constant 0 : i32
      %add3A_77 = arith.addi %mul3A_75, %add3A_76 : i32
      %dma_wait3A_78 = arith.constant 0 : i32
      %dma_wait3A_79 = tpu.memref_slice %arg5[%add3A_77, %dma_wait3A_78] : memref<50x128xi32, #tpu.memory_space<vmem>> -> memref<1x128xi32, #tpu.memory_space<vmem>>
      %dma_wait3A_80 = tpu.memref_squeeze %dma_wait3A_79 : memref<1x128xi32, #tpu.memory_space<vmem>> -> memref<128xi32, #tpu.memory_space<vmem>>
      %dma_wait3A_81 = arith.constant 0 : i32
      %dma_wait3A_82 = arith.constant 0 : i32
      %dma_wait3A_83 = tpu.memref_slice %arg3[%dma_wait3A_81, %dma_wait3A_82] : memref<100000x128xf32, #tpu.memory_space<hbm>> -> memref<100000x128xf32, #tpu.memory_space<hbm>>
      tpu.wait_indirect_dma semaphore(%arg11 : memref<!tpu.dma_semaphore, #tpu.memory_space<semaphore_mem>>) src(%dma_wait3A_83 : memref<100000x128xf32, #tpu.memory_space<hbm>>) dst(%arg6 : memref<128x128xf32, #tpu.memory_space<vmem>>)
      %mul3A_84 = arith.constant 128 : i32
      %mul3A_85 = arith.muli %add3A_77, %mul3A_84 : i32
      %add3A_86 = arith.addi %mul3A_2, %mul3A_85 : i32
      %dma_start3A_87 = arith.constant 0 : i32
      %dma_start3A_88 = tpu.memref_slice %arg4[%add3A_86, %dma_start3A_87] : memref<204800x128xf32, #tpu.memory_space<hbm>> -> memref<128x128xf32, #tpu.memory_space<hbm>>
      %dma_start3A_89 = arith.constant 0 : i32
      %dma_start3A_90 = tpu.memref_slice %arg4[%add3A_86, %dma_start3A_89] : memref<204800x128xf32, #tpu.memory_space<hbm>> -> memref<128x128xf32, #tpu.memory_space<hbm>>
      tpu.enqueue_dma source(%arg6 : memref<128x128xf32, #tpu.memory_space<vmem>>) target(%dma_start3A_90 : memref<128x128xf32, #tpu.memory_space<hbm>>) target_semaphore(%arg16 : memref<!tpu.dma_semaphore, #tpu.memory_space<semaphore_mem>>)
      %ge3A = arith.constant 2 : i32
      %ge3A_91 = arith.cmpi sge, %add3A_77, %ge3A : i32
      %sub3A = arith.constant 2 : i32
      %sub3A_92 = arith.subi %add3A_77, %sub3A : i32
      %add3A_93 = arith.constant 5 : i32
      %add3A_94 = arith.addi %sub3A_92, %add3A_93 : i32
      %lt3A = arith.constant 50 : i32
      %lt3A_95 = arith.cmpi slt, %add3A_94, %lt3A : i32
      %and3A = arith.andi %ge3A_91, %lt3A_95 : i1
      %convert_element_type3A = arith.extui %and3A : i1 to i32
      %cond3A = arith.constant 0 : i32
      %cond3A_96 = arith.cmpi ne, %convert_element_type3A, %cond3A : i32
      scf.if %cond3A_96 {
        %sub3A_214 = arith.constant 2 : i32
        %sub3A_215 = arith.subi %add3A_77, %sub3A_214 : i32
        %mul3A_216 = arith.constant 128 : i32
        %mul3A_217 = arith.muli %sub3A_215, %mul3A_216 : i32
        %add3A_218 = arith.addi %mul3A_2, %mul3A_217 : i32
        %dma_wait3A_219 = arith.constant 0 : i32
        %dma_wait3A_220 = tpu.memref_slice %arg4[%add3A_218, %dma_wait3A_219] : memref<204800x128xf32, #tpu.memory_space<hbm>> -> memref<128x128xf32, #tpu.memory_space<hbm>>
        %dma_wait3A_221 = arith.constant 0 : i32
        %dma_wait3A_222 = tpu.memref_slice %arg4[%add3A_218, %dma_wait3A_221] : memref<204800x128xf32, #tpu.memory_space<hbm>> -> memref<128x128xf32, #tpu.memory_space<hbm>>
        tpu.wait_dma2 semaphore(%arg19 : memref<!tpu.dma_semaphore, #tpu.memory_space<semaphore_mem>>) src(%arg9 : memref<128x128xf32, #tpu.memory_space<vmem>>) dst(%dma_wait3A_222 : memref<128x128xf32, #tpu.memory_space<hbm>>)
        %sub3A_223 = arith.constant 2 : i32
        %sub3A_224 = arith.subi %add3A_77, %sub3A_223 : i32
        %add3A_225 = arith.constant 5 : i32
        %add3A_226 = arith.addi %sub3A_224, %add3A_225 : i32
        %dma_start3A_227 = arith.constant 0 : i32
        %dma_start3A_228 = tpu.memref_slice %arg5[%add3A_226, %dma_start3A_227] : memref<50x128xi32, #tpu.memory_space<vmem>> -> memref<1x128xi32, #tpu.memory_space<vmem>>
        %dma_start3A_229 = tpu.memref_squeeze %dma_start3A_228 : memref<1x128xi32, #tpu.memory_space<vmem>> -> memref<128xi32, #tpu.memory_space<vmem>>
        %dma_start3A_230 = arith.constant 0 : i32
        %dma_start3A_231 = arith.constant 0 : i32
        %dma_start3A_232 = tpu.memref_slice %arg3[%dma_start3A_230, %dma_start3A_231] : memref<100000x128xf32, #tpu.memory_space<hbm>> -> memref<100000x128xf32, #tpu.memory_space<hbm>>
        tpu.enqueue_indirect_dma source(%dma_start3A_232 : memref<100000x128xf32, #tpu.memory_space<hbm>>) target(%arg9 : memref<128x128xf32, #tpu.memory_space<vmem>>) offsets(%dma_start3A_229 : memref<128xi32, #tpu.memory_space<vmem>>) semaphore(%arg14 : memref<!tpu.dma_semaphore, #tpu.memory_space<semaphore_mem>>)
      } else {
      }
      %mul3A_97 = arith.constant 5 : i32
      %mul3A_98 = arith.muli %scan3A_72, %mul3A_97 : i32
      %add3A_99 = arith.constant 1 : i32
      %add3A_100 = arith.addi %mul3A_98, %add3A_99 : i32
      %dma_wait3A_101 = arith.constant 0 : i32
      %dma_wait3A_102 = tpu.memref_slice %arg5[%add3A_100, %dma_wait3A_101] : memref<50x128xi32, #tpu.memory_space<vmem>> -> memref<1x128xi32, #tpu.memory_space<vmem>>
      %dma_wait3A_103 = tpu.memref_squeeze %dma_wait3A_102 : memref<1x128xi32, #tpu.memory_space<vmem>> -> memref<128xi32, #tpu.memory_space<vmem>>
      %dma_wait3A_104 = arith.constant 0 : i32
      %dma_wait3A_105 = arith.constant 0 : i32
      %dma_wait3A_106 = tpu.memref_slice %arg3[%dma_wait3A_104, %dma_wait3A_105] : memref<100000x128xf32, #tpu.memory_space<hbm>> -> memref<100000x128xf32, #tpu.memory_space<hbm>>
      tpu.wait_indirect_dma semaphore(%arg12 : memref<!tpu.dma_semaphore, #tpu.memory_space<semaphore_mem>>) src(%dma_wait3A_106 : memref<100000x128xf32, #tpu.memory_space<hbm>>) dst(%arg7 : memref<128x128xf32, #tpu.memory_space<vmem>>)
      %mul3A_107 = arith.constant 128 : i32
      %mul3A_108 = arith.muli %add3A_100, %mul3A_107 : i32
      %add3A_109 = arith.addi %mul3A_2, %mul3A_108 : i32
      %dma_start3A_110 = arith.constant 0 : i32
      %dma_start3A_111 = tpu.memref_slice %arg4[%add3A_109, %dma_start3A_110] : memref<204800x128xf32, #tpu.memory_space<hbm>> -> memref<128x128xf32, #tpu.memory_space<hbm>>
      %dma_start3A_112 = arith.constant 0 : i32
      %dma_start3A_113 = tpu.memref_slice %arg4[%add3A_109, %dma_start3A_112] : memref<204800x128xf32, #tpu.memory_space<hbm>> -> memref<128x128xf32, #tpu.memory_space<hbm>>
      tpu.enqueue_dma source(%arg7 : memref<128x128xf32, #tpu.memory_space<vmem>>) target(%dma_start3A_113 : memref<128x128xf32, #tpu.memory_space<hbm>>) target_semaphore(%arg17 : memref<!tpu.dma_semaphore, #tpu.memory_space<semaphore_mem>>)
      %ge3A_114 = arith.constant 2 : i32
      %ge3A_115 = arith.cmpi sge, %add3A_100, %ge3A_114 : i32
      %sub3A_116 = arith.constant 2 : i32
      %sub3A_117 = arith.subi %add3A_100, %sub3A_116 : i32
      %add3A_118 = arith.constant 5 : i32
      %add3A_119 = arith.addi %sub3A_117, %add3A_118 : i32
      %lt3A_120 = arith.constant 50 : i32
      %lt3A_121 = arith.cmpi slt, %add3A_119, %lt3A_120 : i32
      %and3A_122 = arith.andi %ge3A_115, %lt3A_121 : i1
      %convert_element_type3A_123 = arith.extui %and3A_122 : i1 to i32
      %cond3A_124 = arith.constant 0 : i32
      %cond3A_125 = arith.cmpi ne, %convert_element_type3A_123, %cond3A_124 : i32
      scf.if %cond3A_125 {
        %sub3A_214 = arith.constant 2 : i32
        %sub3A_215 = arith.subi %add3A_100, %sub3A_214 : i32
        %mul3A_216 = arith.constant 128 : i32
        %mul3A_217 = arith.muli %sub3A_215, %mul3A_216 : i32
        %add3A_218 = arith.addi %mul3A_2, %mul3A_217 : i32
        %dma_wait3A_219 = arith.constant 0 : i32
        %dma_wait3A_220 = tpu.memref_slice %arg4[%add3A_218, %dma_wait3A_219] : memref<204800x128xf32, #tpu.memory_space<hbm>> -> memref<128x128xf32, #tpu.memory_space<hbm>>
        %dma_wait3A_221 = arith.constant 0 : i32
        %dma_wait3A_222 = tpu.memref_slice %arg4[%add3A_218, %dma_wait3A_221] : memref<204800x128xf32, #tpu.memory_space<hbm>> -> memref<128x128xf32, #tpu.memory_space<hbm>>
        tpu.wait_dma2 semaphore(%arg20 : memref<!tpu.dma_semaphore, #tpu.memory_space<semaphore_mem>>) src(%arg10 : memref<128x128xf32, #tpu.memory_space<vmem>>) dst(%dma_wait3A_222 : memref<128x128xf32, #tpu.memory_space<hbm>>)
        %sub3A_223 = arith.constant 2 : i32
        %sub3A_224 = arith.subi %add3A_100, %sub3A_223 : i32
        %add3A_225 = arith.constant 5 : i32
        %add3A_226 = arith.addi %sub3A_224, %add3A_225 : i32
        %dma_start3A_227 = arith.constant 0 : i32
        %dma_start3A_228 = tpu.memref_slice %arg5[%add3A_226, %dma_start3A_227] : memref<50x128xi32, #tpu.memory_space<vmem>> -> memref<1x128xi32, #tpu.memory_space<vmem>>
        %dma_start3A_229 = tpu.memref_squeeze %dma_start3A_228 : memref<1x128xi32, #tpu.memory_space<vmem>> -> memref<128xi32, #tpu.memory_space<vmem>>
        %dma_start3A_230 = arith.constant 0 : i32
        %dma_start3A_231 = arith.constant 0 : i32
        %dma_start3A_232 = tpu.memref_slice %arg3[%dma_start3A_230, %dma_start3A_231] : memref<100000x128xf32, #tpu.memory_space<hbm>> -> memref<100000x128xf32, #tpu.memory_space<hbm>>
        tpu.enqueue_indirect_dma source(%dma_start3A_232 : memref<100000x128xf32, #tpu.memory_space<hbm>>) target(%arg10 : memref<128x128xf32, #tpu.memory_space<vmem>>) offsets(%dma_start3A_229 : memref<128xi32, #tpu.memory_space<vmem>>) semaphore(%arg15 : memref<!tpu.dma_semaphore, #tpu.memory_space<semaphore_mem>>)
      } else {
      }
      %mul3A_126 = arith.constant 5 : i32
      %mul3A_127 = arith.muli %scan3A_72, %mul3A_126 : i32
      %add3A_128 = arith.constant 2 : i32
      %add3A_129 = arith.addi %mul3A_127, %add3A_128 : i32
      %dma_wait3A_130 = arith.constant 0 : i32
      %dma_wait3A_131 = tpu.memref_slice %arg5[%add3A_129, %dma_wait3A_130] : memref<50x128xi32, #tpu.memory_space<vmem>> -> memref<1x128xi32, #tpu.memory_space<vmem>>
      %dma_wait3A_132 = tpu.memref_squeeze %dma_wait3A_131 : memref<1x128xi32, #tpu.memory_space<vmem>> -> memref<128xi32, #tpu.memory_space<vmem>>
      %dma_wait3A_133 = arith.constant 0 : i32
      %dma_wait3A_134 = arith.constant 0 : i32
      %dma_wait3A_135 = tpu.memref_slice %arg3[%dma_wait3A_133, %dma_wait3A_134] : memref<100000x128xf32, #tpu.memory_space<hbm>> -> memref<100000x128xf32, #tpu.memory_space<hbm>>
      tpu.wait_indirect_dma semaphore(%arg13 : memref<!tpu.dma_semaphore, #tpu.memory_space<semaphore_mem>>) src(%dma_wait3A_135 : memref<100000x128xf32, #tpu.memory_space<hbm>>) dst(%arg8 : memref<128x128xf32, #tpu.memory_space<vmem>>)
      %mul3A_136 = arith.constant 128 : i32
      %mul3A_137 = arith.muli %add3A_129, %mul3A_136 : i32
      %add3A_138 = arith.addi %mul3A_2, %mul3A_137 : i32
      %dma_start3A_139 = arith.constant 0 : i32
      %dma_start3A_140 = tpu.memref_slice %arg4[%add3A_138, %dma_start3A_139] : memref<204800x128xf32, #tpu.memory_space<hbm>> -> memref<128x128xf32, #tpu.memory_space<hbm>>
      %dma_start3A_141 = arith.constant 0 : i32
      %dma_start3A_142 = tpu.memref_slice %arg4[%add3A_138, %dma_start3A_141] : memref<204800x128xf32, #tpu.memory_space<hbm>> -> memref<128x128xf32, #tpu.memory_space<hbm>>
      tpu.enqueue_dma source(%arg8 : memref<128x128xf32, #tpu.memory_space<vmem>>) target(%dma_start3A_142 : memref<128x128xf32, #tpu.memory_space<hbm>>) target_semaphore(%arg18 : memref<!tpu.dma_semaphore, #tpu.memory_space<semaphore_mem>>)
      %ge3A_143 = arith.constant 2 : i32
      %ge3A_144 = arith.cmpi sge, %add3A_129, %ge3A_143 : i32
      %sub3A_145 = arith.constant 2 : i32
      %sub3A_146 = arith.subi %add3A_129, %sub3A_145 : i32
      %add3A_147 = arith.constant 5 : i32
      %add3A_148 = arith.addi %sub3A_146, %add3A_147 : i32
      %lt3A_149 = arith.constant 50 : i32
      %lt3A_150 = arith.cmpi slt, %add3A_148, %lt3A_149 : i32
      %and3A_151 = arith.andi %ge3A_144, %lt3A_150 : i1
      %convert_element_type3A_152 = arith.extui %and3A_151 : i1 to i32
      %cond3A_153 = arith.constant 0 : i32
      %cond3A_154 = arith.cmpi ne, %convert_element_type3A_152, %cond3A_153 : i32
      scf.if %cond3A_154 {
        %sub3A_214 = arith.constant 2 : i32
        %sub3A_215 = arith.subi %add3A_129, %sub3A_214 : i32
        %mul3A_216 = arith.constant 128 : i32
        %mul3A_217 = arith.muli %sub3A_215, %mul3A_216 : i32
        %add3A_218 = arith.addi %mul3A_2, %mul3A_217 : i32
        %dma_wait3A_219 = arith.constant 0 : i32
        %dma_wait3A_220 = tpu.memref_slice %arg4[%add3A_218, %dma_wait3A_219] : memref<204800x128xf32, #tpu.memory_space<hbm>> -> memref<128x128xf32, #tpu.memory_space<hbm>>
        %dma_wait3A_221 = arith.constant 0 : i32
        %dma_wait3A_222 = tpu.memref_slice %arg4[%add3A_218, %dma_wait3A_221] : memref<204800x128xf32, #tpu.memory_space<hbm>> -> memref<128x128xf32, #tpu.memory_space<hbm>>
        tpu.wait_dma2 semaphore(%arg16 : memref<!tpu.dma_semaphore, #tpu.memory_space<semaphore_mem>>) src(%arg6 : memref<128x128xf32, #tpu.memory_space<vmem>>) dst(%dma_wait3A_222 : memref<128x128xf32, #tpu.memory_space<hbm>>)
        %sub3A_223 = arith.constant 2 : i32
        %sub3A_224 = arith.subi %add3A_129, %sub3A_223 : i32
        %add3A_225 = arith.constant 5 : i32
        %add3A_226 = arith.addi %sub3A_224, %add3A_225 : i32
        %dma_start3A_227 = arith.constant 0 : i32
        %dma_start3A_228 = tpu.memref_slice %arg5[%add3A_226, %dma_start3A_227] : memref<50x128xi32, #tpu.memory_space<vmem>> -> memref<1x128xi32, #tpu.memory_space<vmem>>
        %dma_start3A_229 = tpu.memref_squeeze %dma_start3A_228 : memref<1x128xi32, #tpu.memory_space<vmem>> -> memref<128xi32, #tpu.memory_space<vmem>>
        %dma_start3A_230 = arith.constant 0 : i32
        %dma_start3A_231 = arith.constant 0 : i32
        %dma_start3A_232 = tpu.memref_slice %arg3[%dma_start3A_230, %dma_start3A_231] : memref<100000x128xf32, #tpu.memory_space<hbm>> -> memref<100000x128xf32, #tpu.memory_space<hbm>>
        tpu.enqueue_indirect_dma source(%dma_start3A_232 : memref<100000x128xf32, #tpu.memory_space<hbm>>) target(%arg6 : memref<128x128xf32, #tpu.memory_space<vmem>>) offsets(%dma_start3A_229 : memref<128xi32, #tpu.memory_space<vmem>>) semaphore(%arg11 : memref<!tpu.dma_semaphore, #tpu.memory_space<semaphore_mem>>)
      } else {
      }
      %mul3A_155 = arith.constant 5 : i32
      %mul3A_156 = arith.muli %scan3A_72, %mul3A_155 : i32
      %add3A_157 = arith.constant 3 : i32
      %add3A_158 = arith.addi %mul3A_156, %add3A_157 : i32
      %dma_wait3A_159 = arith.constant 0 : i32
      %dma_wait3A_160 = tpu.memref_slice %arg5[%add3A_158, %dma_wait3A_159] : memref<50x128xi32, #tpu.memory_space<vmem>> -> memref<1x128xi32, #tpu.memory_space<vmem>>
      %dma_wait3A_161 = tpu.memref_squeeze %dma_wait3A_160 : memref<1x128xi32, #tpu.memory_space<vmem>> -> memref<128xi32, #tpu.memory_space<vmem>>
      %dma_wait3A_162 = arith.constant 0 : i32
      %dma_wait3A_163 = arith.constant 0 : i32
      %dma_wait3A_164 = tpu.memref_slice %arg3[%dma_wait3A_162, %dma_wait3A_163] : memref<100000x128xf32, #tpu.memory_space<hbm>> -> memref<100000x128xf32, #tpu.memory_space<hbm>>
      tpu.wait_indirect_dma semaphore(%arg14 : memref<!tpu.dma_semaphore, #tpu.memory_space<semaphore_mem>>) src(%dma_wait3A_164 : memref<100000x128xf32, #tpu.memory_space<hbm>>) dst(%arg9 : memref<128x128xf32, #tpu.memory_space<vmem>>)
      %mul3A_165 = arith.constant 128 : i32
      %mul3A_166 = arith.muli %add3A_158, %mul3A_165 : i32
      %add3A_167 = arith.addi %mul3A_2, %mul3A_166 : i32
      %dma_start3A_168 = arith.constant 0 : i32
      %dma_start3A_169 = tpu.memref_slice %arg4[%add3A_167, %dma_start3A_168] : memref<204800x128xf32, #tpu.memory_space<hbm>> -> memref<128x128xf32, #tpu.memory_space<hbm>>
      %dma_start3A_170 = arith.constant 0 : i32
      %dma_start3A_171 = tpu.memref_slice %arg4[%add3A_167, %dma_start3A_170] : memref<204800x128xf32, #tpu.memory_space<hbm>> -> memref<128x128xf32, #tpu.memory_space<hbm>>
      tpu.enqueue_dma source(%arg9 : memref<128x128xf32, #tpu.memory_space<vmem>>) target(%dma_start3A_171 : memref<128x128xf32, #tpu.memory_space<hbm>>) target_semaphore(%arg19 : memref<!tpu.dma_semaphore, #tpu.memory_space<semaphore_mem>>)
      %ge3A_172 = arith.constant 2 : i32
      %ge3A_173 = arith.cmpi sge, %add3A_158, %ge3A_172 : i32
      %sub3A_174 = arith.constant 2 : i32
      %sub3A_175 = arith.subi %add3A_158, %sub3A_174 : i32
      %add3A_176 = arith.constant 5 : i32
      %add3A_177 = arith.addi %sub3A_175, %add3A_176 : i32
      %lt3A_178 = arith.constant 50 : i32
      %lt3A_179 = arith.cmpi slt, %add3A_177, %lt3A_178 : i32
      %and3A_180 = arith.andi %ge3A_173, %lt3A_179 : i1
      %convert_element_type3A_181 = arith.extui %and3A_180 : i1 to i32
      %cond3A_182 = arith.constant 0 : i32
      %cond3A_183 = arith.cmpi ne, %convert_element_type3A_181, %cond3A_182 : i32
      scf.if %cond3A_183 {
        %sub3A_214 = arith.constant 2 : i32
        %sub3A_215 = arith.subi %add3A_158, %sub3A_214 : i32
        %mul3A_216 = arith.constant 128 : i32
        %mul3A_217 = arith.muli %sub3A_215, %mul3A_216 : i32
        %add3A_218 = arith.addi %mul3A_2, %mul3A_217 : i32
        %dma_wait3A_219 = arith.constant 0 : i32
        %dma_wait3A_220 = tpu.memref_slice %arg4[%add3A_218, %dma_wait3A_219] : memref<204800x128xf32, #tpu.memory_space<hbm>> -> memref<128x128xf32, #tpu.memory_space<hbm>>
        %dma_wait3A_221 = arith.constant 0 : i32
        %dma_wait3A_222 = tpu.memref_slice %arg4[%add3A_218, %dma_wait3A_221] : memref<204800x128xf32, #tpu.memory_space<hbm>> -> memref<128x128xf32, #tpu.memory_space<hbm>>
        tpu.wait_dma2 semaphore(%arg17 : memref<!tpu.dma_semaphore, #tpu.memory_space<semaphore_mem>>) src(%arg7 : memref<128x128xf32, #tpu.memory_space<vmem>>) dst(%dma_wait3A_222 : memref<128x128xf32, #tpu.memory_space<hbm>>)
        %sub3A_223 = arith.constant 2 : i32
        %sub3A_224 = arith.subi %add3A_158, %sub3A_223 : i32
        %add3A_225 = arith.constant 5 : i32
        %add3A_226 = arith.addi %sub3A_224, %add3A_225 : i32
        %dma_start3A_227 = arith.constant 0 : i32
        %dma_start3A_228 = tpu.memref_slice %arg5[%add3A_226, %dma_start3A_227] : memref<50x128xi32, #tpu.memory_space<vmem>> -> memref<1x128xi32, #tpu.memory_space<vmem>>
        %dma_start3A_229 = tpu.memref_squeeze %dma_start3A_228 : memref<1x128xi32, #tpu.memory_space<vmem>> -> memref<128xi32, #tpu.memory_space<vmem>>
        %dma_start3A_230 = arith.constant 0 : i32
        %dma_start3A_231 = arith.constant 0 : i32
        %dma_start3A_232 = tpu.memref_slice %arg3[%dma_start3A_230, %dma_start3A_231] : memref<100000x128xf32, #tpu.memory_space<hbm>> -> memref<100000x128xf32, #tpu.memory_space<hbm>>
        tpu.enqueue_indirect_dma source(%dma_start3A_232 : memref<100000x128xf32, #tpu.memory_space<hbm>>) target(%arg7 : memref<128x128xf32, #tpu.memory_space<vmem>>) offsets(%dma_start3A_229 : memref<128xi32, #tpu.memory_space<vmem>>) semaphore(%arg12 : memref<!tpu.dma_semaphore, #tpu.memory_space<semaphore_mem>>)
      } else {
      }
      %mul3A_184 = arith.constant 5 : i32
      %mul3A_185 = arith.muli %scan3A_72, %mul3A_184 : i32
      %add3A_186 = arith.constant 4 : i32
      %add3A_187 = arith.addi %mul3A_185, %add3A_186 : i32
      %dma_wait3A_188 = arith.constant 0 : i32
      %dma_wait3A_189 = tpu.memref_slice %arg5[%add3A_187, %dma_wait3A_188] : memref<50x128xi32, #tpu.memory_space<vmem>> -> memref<1x128xi32, #tpu.memory_space<vmem>>
      %dma_wait3A_190 = tpu.memref_squeeze %dma_wait3A_189 : memref<1x128xi32, #tpu.memory_space<vmem>> -> memref<128xi32, #tpu.memory_space<vmem>>
      %dma_wait3A_191 = arith.constant 0 : i32
      %dma_wait3A_192 = arith.constant 0 : i32
      %dma_wait3A_193 = tpu.memref_slice %arg3[%dma_wait3A_191, %dma_wait3A_192] : memref<100000x128xf32, #tpu.memory_space<hbm>> -> memref<100000x128xf32, #tpu.memory_space<hbm>>
      tpu.wait_indirect_dma semaphore(%arg15 : memref<!tpu.dma_semaphore, #tpu.memory_space<semaphore_mem>>) src(%dma_wait3A_193 : memref<100000x128xf32, #tpu.memory_space<hbm>>) dst(%arg10 : memref<128x128xf32, #tpu.memory_space<vmem>>)
      %mul3A_194 = arith.constant 128 : i32
      %mul3A_195 = arith.muli %add3A_187, %mul3A_194 : i32
      %add3A_196 = arith.addi %mul3A_2, %mul3A_195 : i32
      %dma_start3A_197 = arith.constant 0 : i32
      %dma_start3A_198 = tpu.memref_slice %arg4[%add3A_196, %dma_start3A_197] : memref<204800x128xf32, #tpu.memory_space<hbm>> -> memref<128x128xf32, #tpu.memory_space<hbm>>
      %dma_start3A_199 = arith.constant 0 : i32
      %dma_start3A_200 = tpu.memref_slice %arg4[%add3A_196, %dma_start3A_199] : memref<204800x128xf32, #tpu.memory_space<hbm>> -> memref<128x128xf32, #tpu.memory_space<hbm>>
      tpu.enqueue_dma source(%arg10 : memref<128x128xf32, #tpu.memory_space<vmem>>) target(%dma_start3A_200 : memref<128x128xf32, #tpu.memory_space<hbm>>) target_semaphore(%arg20 : memref<!tpu.dma_semaphore, #tpu.memory_space<semaphore_mem>>)
      %ge3A_201 = arith.constant 2 : i32
      %ge3A_202 = arith.cmpi sge, %add3A_187, %ge3A_201 : i32
      %sub3A_203 = arith.constant 2 : i32
      %sub3A_204 = arith.subi %add3A_187, %sub3A_203 : i32
      %add3A_205 = arith.constant 5 : i32
      %add3A_206 = arith.addi %sub3A_204, %add3A_205 : i32
      %lt3A_207 = arith.constant 50 : i32
      %lt3A_208 = arith.cmpi slt, %add3A_206, %lt3A_207 : i32
      %and3A_209 = arith.andi %ge3A_202, %lt3A_208 : i1
      %convert_element_type3A_210 = arith.extui %and3A_209 : i1 to i32
      %cond3A_211 = arith.constant 0 : i32
      %cond3A_212 = arith.cmpi ne, %convert_element_type3A_210, %cond3A_211 : i32
      scf.if %cond3A_212 {
        %sub3A_214 = arith.constant 2 : i32
        %sub3A_215 = arith.subi %add3A_187, %sub3A_214 : i32
        %mul3A_216 = arith.constant 128 : i32
        %mul3A_217 = arith.muli %sub3A_215, %mul3A_216 : i32
        %add3A_218 = arith.addi %mul3A_2, %mul3A_217 : i32
        %dma_wait3A_219 = arith.constant 0 : i32
        %dma_wait3A_220 = tpu.memref_slice %arg4[%add3A_218, %dma_wait3A_219] : memref<204800x128xf32, #tpu.memory_space<hbm>> -> memref<128x128xf32, #tpu.memory_space<hbm>>
        %dma_wait3A_221 = arith.constant 0 : i32
        %dma_wait3A_222 = tpu.memref_slice %arg4[%add3A_218, %dma_wait3A_221] : memref<204800x128xf32, #tpu.memory_space<hbm>> -> memref<128x128xf32, #tpu.memory_space<hbm>>
        tpu.wait_dma2 semaphore(%arg18 : memref<!tpu.dma_semaphore, #tpu.memory_space<semaphore_mem>>) src(%arg8 : memref<128x128xf32, #tpu.memory_space<vmem>>) dst(%dma_wait3A_222 : memref<128x128xf32, #tpu.memory_space<hbm>>)
        %sub3A_223 = arith.constant 2 : i32
        %sub3A_224 = arith.subi %add3A_187, %sub3A_223 : i32
        %add3A_225 = arith.constant 5 : i32
        %add3A_226 = arith.addi %sub3A_224, %add3A_225 : i32
        %dma_start3A_227 = arith.constant 0 : i32
        %dma_start3A_228 = tpu.memref_slice %arg5[%add3A_226, %dma_start3A_227] : memref<50x128xi32, #tpu.memory_space<vmem>> -> memref<1x128xi32, #tpu.memory_space<vmem>>
        %dma_start3A_229 = tpu.memref_squeeze %dma_start3A_228 : memref<1x128xi32, #tpu.memory_space<vmem>> -> memref<128xi32, #tpu.memory_space<vmem>>
        %dma_start3A_230 = arith.constant 0 : i32
        %dma_start3A_231 = arith.constant 0 : i32
        %dma_start3A_232 = tpu.memref_slice %arg3[%dma_start3A_230, %dma_start3A_231] : memref<100000x128xf32, #tpu.memory_space<hbm>> -> memref<100000x128xf32, #tpu.memory_space<hbm>>
        tpu.enqueue_indirect_dma source(%dma_start3A_232 : memref<100000x128xf32, #tpu.memory_space<hbm>>) target(%arg8 : memref<128x128xf32, #tpu.memory_space<vmem>>) offsets(%dma_start3A_229 : memref<128xi32, #tpu.memory_space<vmem>>) semaphore(%arg13 : memref<!tpu.dma_semaphore, #tpu.memory_space<semaphore_mem>>)
      } else {
      }
      %scan3A_213 = arith.constant 0 : i32
      scf.yield %scan3A_213 : i32
    }
    %scan3A_42 = arith.constant 10 : i32
    %add3A_43 = arith.constant 5760 : i32
    %add3A_44 = arith.addi %mul3A_2, %add3A_43 : i32
    %dma_wait3A = arith.constant 0 : i32
    %dma_wait3A_45 = tpu.memref_slice %arg4[%add3A_44, %dma_wait3A] : memref<204800x128xf32, #tpu.memory_space<hbm>> -> memref<128x128xf32, #tpu.memory_space<hbm>>
    %dma_wait3A_46 = arith.constant 0 : i32
    %dma_wait3A_47 = tpu.memref_slice %arg4[%add3A_44, %dma_wait3A_46] : memref<204800x128xf32, #tpu.memory_space<hbm>> -> memref<128x128xf32, #tpu.memory_space<hbm>>
    tpu.wait_dma2 semaphore(%arg16 : memref<!tpu.dma_semaphore, #tpu.memory_space<semaphore_mem>>) src(%arg6 : memref<128x128xf32, #tpu.memory_space<vmem>>) dst(%dma_wait3A_47 : memref<128x128xf32, #tpu.memory_space<hbm>>)
    %add3A_48 = arith.constant 5888 : i32
    %add3A_49 = arith.addi %mul3A_2, %add3A_48 : i32
    %dma_wait3A_50 = arith.constant 0 : i32
    %dma_wait3A_51 = tpu.memref_slice %arg4[%add3A_49, %dma_wait3A_50] : memref<204800x128xf32, #tpu.memory_space<hbm>> -> memref<128x128xf32, #tpu.memory_space<hbm>>
    %dma_wait3A_52 = arith.constant 0 : i32
    %dma_wait3A_53 = tpu.memref_slice %arg4[%add3A_49, %dma_wait3A_52] : memref<204800x128xf32, #tpu.memory_space<hbm>> -> memref<128x128xf32, #tpu.memory_space<hbm>>
    tpu.wait_dma2 semaphore(%arg17 : memref<!tpu.dma_semaphore, #tpu.memory_space<semaphore_mem>>) src(%arg7 : memref<128x128xf32, #tpu.memory_space<vmem>>) dst(%dma_wait3A_53 : memref<128x128xf32, #tpu.memory_space<hbm>>)
    %add3A_54 = arith.constant 6016 : i32
    %add3A_55 = arith.addi %mul3A_2, %add3A_54 : i32
    %dma_wait3A_56 = arith.constant 0 : i32
    %dma_wait3A_57 = tpu.memref_slice %arg4[%add3A_55, %dma_wait3A_56] : memref<204800x128xf32, #tpu.memory_space<hbm>> -> memref<128x128xf32, #tpu.memory_space<hbm>>
    %dma_wait3A_58 = arith.constant 0 : i32
    %dma_wait3A_59 = tpu.memref_slice %arg4[%add3A_55, %dma_wait3A_58] : memref<204800x128xf32, #tpu.memory_space<hbm>> -> memref<128x128xf32, #tpu.memory_space<hbm>>
    tpu.wait_dma2 semaphore(%arg18 : memref<!tpu.dma_semaphore, #tpu.memory_space<semaphore_mem>>) src(%arg8 : memref<128x128xf32, #tpu.memory_space<vmem>>) dst(%dma_wait3A_59 : memref<128x128xf32, #tpu.memory_space<hbm>>)
    %add3A_60 = arith.constant 6144 : i32
    %add3A_61 = arith.addi %mul3A_2, %add3A_60 : i32
    %dma_wait3A_62 = arith.constant 0 : i32
    %dma_wait3A_63 = tpu.memref_slice %arg4[%add3A_61, %dma_wait3A_62] : memref<204800x128xf32, #tpu.memory_space<hbm>> -> memref<128x128xf32, #tpu.memory_space<hbm>>
    %dma_wait3A_64 = arith.constant 0 : i32
    %dma_wait3A_65 = tpu.memref_slice %arg4[%add3A_61, %dma_wait3A_64] : memref<204800x128xf32, #tpu.memory_space<hbm>> -> memref<128x128xf32, #tpu.memory_space<hbm>>
    tpu.wait_dma2 semaphore(%arg19 : memref<!tpu.dma_semaphore, #tpu.memory_space<semaphore_mem>>) src(%arg9 : memref<128x128xf32, #tpu.memory_space<vmem>>) dst(%dma_wait3A_65 : memref<128x128xf32, #tpu.memory_space<hbm>>)
    %add3A_66 = arith.constant 6272 : i32
    %add3A_67 = arith.addi %mul3A_2, %add3A_66 : i32
    %dma_wait3A_68 = arith.constant 0 : i32
    %dma_wait3A_69 = tpu.memref_slice %arg4[%add3A_67, %dma_wait3A_68] : memref<204800x128xf32, #tpu.memory_space<hbm>> -> memref<128x128xf32, #tpu.memory_space<hbm>>
    %dma_wait3A_70 = arith.constant 0 : i32
    %dma_wait3A_71 = tpu.memref_slice %arg4[%add3A_67, %dma_wait3A_70] : memref<204800x128xf32, #tpu.memory_space<hbm>> -> memref<128x128xf32, #tpu.memory_space<hbm>>
    tpu.wait_dma2 semaphore(%arg20 : memref<!tpu.dma_semaphore, #tpu.memory_space<semaphore_mem>>) src(%arg10 : memref<128x128xf32, #tpu.memory_space<vmem>>) dst(%dma_wait3A_71 : memref<128x128xf32, #tpu.memory_space<hbm>>)
    return
  }
}

</mosaic_0001>

<sc_bundles>
// kernel: _embed.3.cloned.1.call-start
scs
__scs_entry_jumppad:
0x0: {  	(pc) =	sbr.rel $0x88, $3  }
0x1: {  	(tag) =	ssettag $0x0;
	lr =	simm.s32 $0x1  }
0x2: {  	[smem:$0x3F9F] =	sst lr;
	_ =	strace $0xD0000000  }
0x3: {  	_ = 	snop  }
0x4: {  	_ = 	snop  }
0x5: {  	_ = 	snop  }
0x6: {  	_ = 	snop  }
0x7: {  	_ = 	snop  }
__scs_overlays_trampoline_lowered:
0x8: {  	[smem:$0x3FAE] =	sst s0  }
0x9: {  	[smem:$0x3FAF] =	sst s1  }
0xa: {  	[smem:$0x3FB0] =	sst s2  }
0xb: {  	[smem:$0x3FB1] =	sst s3  }
0xc: {  	[smem:$0x3FB2] =	sst s4  }
0xd: {  	[smem:$0x3FB3] =	sst s5  }
0xe: {  	[smem:$0x3FB4] =	sst s6  }
0xf: {  	[smem:$0x3FB5] =	sst s7  }
0x10: {  	[smem:$0x3FB6] =	sst s8  }
0x11: {  	[smem:$0x3FB7] =	sst s9;
	s0 =	simm.s32 @!p0 $0x0  }
0x12: {  	s1 =	sld [smem:$0x3F9D];
	s0 =	simm.s32 @p0 $0x1  }
0x13: {  	[smem:$0x3FB8] =	sst s0;
	s0 =	simm.s32 @!p1 $0x0  }
0x14: {  	s2 =	sld [smem:$0x3F9C];
	s0 =	simm.s32 @p1 $0x1  }
0x15: {  	[smem:$0x3FB9] =	sst s0;
	s0 =	simm.s32 @!p2 $0x0  }
0x16: {  	s3 =	sld [smem:$0x3FDB];
	s0 =	simm.s32 @p2 $0x1  }
0x17: {  	s4 =	simm.s32 $0x1BF5;
	[smem:$0x3FBB] =	sst s0  }
0x18: {  	s0 =	sld [smem:$0x3F9E];
	_ =	swait.ge [sflag:s4], $0x0  }
0x19: {  	s7 =	sld [smem:$0x3F9F]  }
0x1a: {  	s8 =	sadd.s32 $0xFFFFE003, lr  }
0x1b: {  	s9 =	sadd.s32 $0xFFFFFEF7, lr;
	s5 =	simm.s32 $0xFFFFFFFF;
	p2 =	slt.u32 s8, $0xFFFFF086  }
0x1c: {  	p1 =	slt.u32 s9, $0xF7A;
	s5 =	simm.s32 @!p2 $0x0  }
0x1d: {  	s5 =	simm.s32 @p1 $0x1;
	p0 =	seq.s32 s7, s2  }
0x1e: {  	s7 =	smul.u32 @!p0 $0xF7A, s2;
	p2 =	seq.s32 @!p0 s5, $0x0  }
0x1f: {  	s9 =	smul.u32 $0xF7A, s1;
	s8 =	simm.s32 @!p0 $0x1BF5;
	p2 =	por !p2, p0  }
0x20: {  	[sflag:s8] =	ssyncset.s32 @!p0 $0xFFFFF086;
	s6 =	sadd.s32 @!p0 s3, s7;
	s7 =	simm.s32 @!p0 $0x108  }
0x21: {  	s3 =	sadd.s32 s3, s9;
	s6 =	sadd.s32 @!p0 $0x88, s6;
	s7 =	simm.s32 @p2 $0x1082  }
0x22: {  	[simem:s7], [sflag:s8] =	dma.local @!p0 [hbm:s6], $0xF7A  }
0x23: {  	s9 =	sor.u32 $0xD0000000, s2;
	s6 =	simm.s32 $0x108;
	_ =	swait.ge @!p0 [sflag:s8], $0x0  }
0x24: {  	s3 =	sadd.s32 $0x88, s3;
	s6 =	simm.s32 @!p1 $0x1082;
	[sflag:s4] =	ssyncset.s32 $0xFFFFF086  }
0x25: {  	[simem:s6], [sflag:s4] =	dma.local [hbm:s3], $0xF7A  }
0x26: {  	[smem:$0x3F9F] =	sst s1;
	(tag) =	ssettag s2;
	_ =	strace s9  }
0x27: {  	s1 =	sld [smem:$0x3FAF]  }
0x28: {  	s2 =	sld [smem:$0x3FB0]  }
0x29: {  	s4 =	sld [smem:$0x3FB2]  }
0x2a: {  	p0 =	seq.s32 s5, $0x0;
	s5 =	sld [smem:$0x3FB3]  }
0x2b: {  	s6 =	sld [smem:$0x3FB4]  }
0x2c: {  	s7 =	sld [smem:$0x3FB5]  }
0x2d: {  	s3 =	simm.s32 $0x108;
	s8 =	sld [smem:$0x3FB6]  }
0x2e: {  	s3 =	simm.s32 @!p0 $0x1082;
	s9 =	sld [smem:$0x3FB7]  }
0x2f: {  	lr =	sadd.s32 s0, s3;
	s0 =	sld [smem:$0x3FAE]  }
0x30: {  	s3 =	sld [smem:$0x3FB1]  }
0x31: {  	[smem:$0x3FBA] =	sst s10  }
0x32: {  	s10 =	sld [smem:$0x3FB8];
	_ =	sdelay $0x3  }
0x33: {  	p0 =	seq.s32 s10, $0x1;
	s10 =	sld [smem:$0x3FBA];
	_ =	sdelay $0x3  }
0x34: {  	[smem:$0x3FBA] =	sst s10  }
0x35: {  	s10 =	sld [smem:$0x3FB9];
	_ =	sdelay $0x3  }
0x36: {  	p1 =	seq.s32 s10, $0x1;
	s10 =	sld [smem:$0x3FBA];
	_ =	sdelay $0x3  }
0x37: {  	[smem:$0x3FBA] =	sst s10  }
0x38: {  	s10 =	sld [smem:$0x3FBB]  }
0x39: {  	_ = 	snop;
	(pc) =	sbr.ind lr, $3  }
0x3a: {  	_ = 	snop  }
0x3b: {  	_ = 	snop  }
0x3c: {  	p2 =	seq.s32 s10, $0x1;
	s10 =	sld [smem:$0x3FBA]  }
0x3d: {  	_ =	shalt  }
0x3e: {  	_ =	shalt  }
0x3f: {  	_ =	shalt  }
0x40: {  	_ =	shalt  }
0x41: {  	_ =	shalt  }
0x42: {  	_ =	shalt  }
0x43: {  	_ =	shalt  }
0x44: {  	_ =	shalt  }
0x45: {  	_ =	shalt  }
0x46: {  	_ =	shalt  }
0x47: {  	_ =	shalt  }
0x48: {  	_ =	shalt  }
0x49: {  	_ =	shalt  }
0x4a: {  	_ =	shalt  }
0x4b: {  	_ =	shalt  }
0x4c: {  	_ =	shalt  }
0x4d: {  	_ =	shalt  }
0x4e: {  	_ =	shalt  }
0x4f: {  	_ =	shalt  }
0x50: {  	_ =	shalt  }
0x51: {  	_ =	shalt  }
0x52: {  	_ =	shalt  }
0x53: {  	_ =	shalt  }
0x54: {  	_ =	shalt  }
0x55: {  	_ =	shalt  }
0x56: {  	_ =	shalt  }
0x57: {  	_ =	shalt  }
0x58: {  	_ =	shalt  }
0x59: {  	_ =	shalt  }
0x5a: {  	_ =	shalt  }
0x5b: {  	_ =	shalt  }
0x5c: {  	_ =	shalt  }
0x5d: {  	_ =	shalt  }
0x5e: {  	_ =	shalt  }
0x5f: {  	_ =	shalt  }
0x60: {  	_ =	shalt  }
0x61: {  	_ =	shalt  }
0x62: {  	_ =	shalt  }
0x63: {  	_ =	shalt  }
0x64: {  	_ =	shalt  }
0x65: {  	_ =	shalt  }
0x66: {  	_ =	shalt  }
0x67: {  	_ =	shalt  }
0x68: {  	_ =	shalt  }
0x69: {  	_ =	shalt  }
0x6a: {  	_ =	shalt  }
0x6b: {  	_ =	shalt  }
0x6c: {  	_ =	shalt  }
0x6d: {  	_ =	shalt  }
0x6e: {  	_ =	shalt  }
0x6f: {  	_ =	shalt  }
0x70: {  	_ =	shalt  }
0x71: {  	_ =	shalt  }
0x72: {  	_ =	shalt  }
0x73: {  	_ =	shalt  }
0x74: {  	_ =	shalt  }
0x75: {  	_ =	shalt  }
0x76: {  	_ =	shalt  }
0x77: {  	_ =	shalt  }
0x78: {  	_ =	shalt  }
0x79: {  	_ =	shalt  }
0x7a: {  	_ =	shalt  }
0x7b: {  	_ =	shalt  }
0x7c: {  	_ =	shalt  }
0x7d: {  	_ =	shalt  }
0x7e: {  	_ =	shalt  }
0x7f: {  	_ =	shalt  }
0x80: {  	_ =	shalt  }
0x81: {  	_ =	shalt  }
0x82: {  	_ =	shalt  }
0x83: {  	_ =	shalt  }
0x84: {  	_ =	shalt  }
0x85: {  	_ =	shalt  }
0x86: {  	_ =	shalt  }
0x87: {  	_ =	shalt  }
.Lfunc_end0:
.L_simem_size_0:
called_computation_lowered:
.L_overlay_start_0:
0x88: {  	s2 =	sld [smem:$0x3FD9]  }
0x89: {  	s3 =	sld [smem:$0x3FFE];
	_ =	sdelay $0x1  }
0x8a: {  	s1 =	srdreg.scid  }
0x8b: {  	s0 =	sand.u32 $0x1, s1  }
0x8c: {  	s17 =	sshll.u32 s0, $0xA;
	s2 =	sadd.s32 s3, s2  }
0x8d: {  	s2 =	sadd.s32 s2, s17  }
0x8e: {  	[smem:$0x3FC6] =	sst s2  }
0x8f: {  	_ = 	snop  }
0x90: {  	s2 =	sld [smem:$0x3FC8]  }
0x91: {  	s18 =	sld [smem:$0x3FD0];
	(tm) =	ssettm $0x1  }
0x92: {  	s4 =	sld [smem:$0x3FFB];
	_ =	sdelay $0x3  }
0x93: {  	_ =	strace s4  }
0x94: {  	s4 =	sld [smem:$0x3FFC];
	_ =	sdelay $0x3  }
0x95: {  	_ =	strace s4  }
0x96: {  	s4 =	sld [smem:$0x3FFD];
	_ =	sdelay $0x3  }
0x97: {  	_ =	strace s4  }
0x98: {  	_ =	strace $0x8FFFFFFF  }
0x99: {  	s19 =	sld [smem:$0x3FDB];
	_ =	sdelay $0x1  }
0x9a: {  	s5 =	simm.s32 $_scs_section_size  }
0x9b: {  	s6 =	simm.s32 $_size__tile_overlayer_lowered;
	s7 =	simm.s32 $_tile_overlayer_lowered  }
0x9c: {  	s22 =	simm.s32 $0x1BFF;
	s21 =	sshll.u32 s7, $0x1;
	s4 =	sadd.s32 s5, s19  }
0x9d: {  	s8 =	simm.s32 $0x0;
	s20 =	sshll.u32 s6, $0x1;
	s6 =	sadd.s32 s21, s4  }
0x9e: {  	[timem:s8], [sflag:s22] =	dma.local [hbm:s6], s20  }
0x9f: {  	_ =	swait.ge [sflag:s22], s20  }
0xa0: {  	s5 =	ssub.s32 $0x0, s20;
	[sflag:s22] =	ssyncset.done $0x0  }
0xa1: {  	[sflag:s22] =	ssyncadd.s32 s5;
	_ =	sdelay $0x1  }
0xa2: {  	s23 =	simm.s32 $0x1B8B  }
0xa3: {  	_ =	swait.ge [sflag:s23], $0x1  }
0xa4: {  	[sflag:s23] =	ssyncset.done $0x0  }
0xa5: {  	s25 =	simm.s32 $0x1B8E;
	s24 =	sld [smem:$0x3FFE];
	[sflag:s23] =	ssyncadd.s32 $0xFFFFFFFF  }
0xa6: {  	s26 =	simm.s32 $execute0_lowered;
	[smem:$0x3FD2] =	sst s25  }
0xa7: {  	s6 =	sshll.u32 s26, $0x1;
	_ =	strace $0x80000046;
	[dreg:$0x1] =	wrdreg $0xFFFFFFFF  }
0xa8: {  	s28 =	simm.s32 $_size_execute0_lowered;
	s4 =	sadd.s32 s4, s6;
	[dreg:$0x0] =	wrdreg $0x0  }
0xa9: {  	s6 =	sshll.u32 s28, $0x1;
	[dreg:$0x2] =	wrdreg s4  }
0xaa: {  	[dreg:$0x3] =	wrdreg s6  }
0xab: {  	[dreg:$0x4] =	wrdreg $0xC0  }
0xac: {  	_ =	task [dreg:s8], $0x5FFFF  }
0xad: {  	[dreg:$0x1] =	wrdreg $0xFFFFFFFF  }
0xae: {  	[dreg:$0x0] =	wrdreg $0x60  }
0xaf: {  	[dreg:$0x2] =	wrdreg s24  }
0xb0: {  	[dreg:$0x3] =	wrdreg s2  }
0xb1: {  	[dreg:$0x4] =	wrdreg s18  }
0xb2: {  	[dreg:$0x5] =	wrdreg $0x9  }
0xb3: {  	_ =	task.clear_ibuf [dreg:s8], $0x6FFFF;
	_ =	strace $0x90000046  }
0xb4: {  	s29 =	simm.s32 $0x9;
	_ =	strace $0x80000048  }
0xb5: {  	_ =	swait.ge [sflag:s29], $0x1  }
0xb6: {  	[sflag:s29] =	ssyncadd.s32 $0xFFFFFFFF  }
0xb7: {  	_ =	strace $0x90000048  }
0xb8: {  	_ =	sfence  }
0xb9: {  	s30 =	sld [smem:$0x0];
	_ =	sdelay $0x2  }
0xba: {  	s31 =	sshll.u32 s1, $0xD;
	s1 =	sshrl.u32 s1, $0x2  }
0xbb: {  	s3 =	sand.u32 $0x4000, s31;
	s1 =	sadd.s32 s1, s30  }
0xbc: {  	s0 =	sor.u32 s3, s0;
	s1 =	sshll.u32 s1, $0x11  }
0xbd: {  	s0 =	sor.u32 s1, s0  }
0xbe: {  	s0 =	sadd.s32 $0x8F2B, s0  }
0xbf: {  	[sflag:s0] =	ssyncadd.remote.s32 $0x1  }
0xc0: {  	_ =	sfence.sel $0xFFFF  }
0xc1: {  	[dreg:$0x0] =	wrdreg $0xFFFFFFFF;
	(pc) =	sbr.abs _section_cstart, $3  }
0xc2: {  	[dreg:$0x1] =	wrdreg $0xFFFFFFFF  }
0xc3: {  	_ =	task.clear_ibuf [dreg:s8], $0x2FFFF;
	_ =	strace $0x9FFFFFFF  }
0xc4: {  	(tm) =	ssettm $0x7FFFFFFF  }
0xc5: {  	_ =	shalt  }
tec
execute0_lowered:
.L_overlay_start_1:
0x0: {  	(tag) =	ssettag $0x1  }
0x1: {  	s1 =	rddreg [dreg:$0x0]  }
0x2: {  	s0 =	srdreg.scid;
	s2 =	rddreg [dreg:$0x1]  }
0x3: {  	s9 =	stileid.u32;
	s5 =	rddreg [dreg:$0x2]  }
0x4: {  	s11 =	simm.s32 $0xB;
	s12 =	simm.s32 $0x80;
	s13 =	simm.s32 $0x1C00  }
0x5: {  	s14 =	simm.s32 $0x5C00;
	s16 =	simm.s32 $0x9C00;
	s18 =	simm.s32 $0xDC00  }
0x6: {  	s20 =	simm.s32 $0x11C00;
	s28 =	simm.s32 $0x7;
	s6 =	smul.u32 $0x190000, s9  }
0x7: {  	s0 =	sand.u32 $0x1, s0;
	s3 =	sshll.u32 s9, $0x1;
	s9 =	smul.u32 $0x32000, s9  }
0x8: {  	s29 =	simm.s32 $0x8;
	s30 =	simm.s32 $0x9;
	s7 =	smul.u32 $0xC8000, s0  }
0x9: {  	s3 =	sor.u32 s0, s3;
	s21 =	ssub.s32 $0x2, s0;
	s0 =	smul.u32 $0x19000, s0  }
0xa: {  	s31 =	simm.s32 $0xA;
	s4 =	smul.u32 $0x380, s3;
	s3 =	simm.s32 $0x0  }
0xb: {  	s8 =	sshrl.u32 s21, $0x1;
	s22 =	sadd.s32 s9, s5;
	[smem:$0x7FF] =	sst s3  }
0xc: {  	s6 =	sadd.s32 s7, s6;
	s0 =	sadd.s32 s0, s22;
	s22 =	simm.s32 $0x2  }
0xd: {  	_ =	strace $0x80000047;
	s1 =	sadd.s32 s4, s1;
	s4 =	ssub.s32 s21, s8  }
0xe: {  	s7 =	sadd.s32 $0x10000, s6;
	[dreg:$0x6] =	wrdreg s0;
	s24 =	sadd.s32 $0xC000, s6  }
0xf: {  	s25 =	sadd.s32 $0x8000, s6;
	s6 =	sor.u32 $0x4000, s6;
	s21 =	simm.s32 $0x1  }
0x10: {  	s1 =	sadd.s32 $0x400, s1;
	s7 =	sshrl.u32 s7, $0x3;
	s4 =	smax.u32 s4, $0x1  }
0x11: {  	s0 =	sshrl.u32 s24, $0x3;
	s6 =	sshrl.u32 s6, $0x3;
	[dreg:$0x4] =	wrdreg s1  }
.Ltmp0:
0x12: {  	[dreg:$0x5] =	wrdreg s4;
	s23 =	sadd.s32 s7, s5;
	(pc) =	sbr.rel .LBB2_1-.Ltmp0, $4  }
0x13: {  	s24 =	simm.s32 $0x4;
	s0 =	sadd.s32 s0, s5;
	[dreg:$0x7] =	wrdreg s23  }
0x14: {  	s1 =	sshrl.u32 s25, $0x3;
	s25 =	simm.s32 $0x5;
	[dreg:$0x8] =	wrdreg s0  }
0x15: {  	s26 =	sadd.s32 s1, s5;
	s0 =	sadd.s32 s6, s5;
	s23 =	simm.s32 $0x3  }
0x16: {  	s1 =	simm.s32 $0x0;
	[dreg:$0x9] =	wrdreg s26;
	s26 =	simm.s32 $0x6  }
.LBB2_4:
0x17: {  	_ =	swait.ge [sflag:s26], $0x4000  }
0x18: {  	[sflag:s26] =	ssyncset.done $0x0  }
0x19: {  	[sflag:s26] =	ssyncadd.s32 $0xFFFFC000  }
0x1a: {  	_ =	swait.ge [sflag:s28], $0x4000  }
0x1b: {  	[sflag:s28] =	ssyncset.done $0x0  }
0x1c: {  	[sflag:s28] =	ssyncadd.s32 $0xFFFFC000  }
0x1d: {  	_ =	swait.ge [sflag:s29], $0x4000  }
0x1e: {  	[sflag:s29] =	ssyncset.done $0x0  }
0x1f: {  	[sflag:s29] =	ssyncadd.s32 $0xFFFFC000  }
0x20: {  	_ =	swait.ge [sflag:s30], $0x4000  }
0x21: {  	[sflag:s30] =	ssyncset.done $0x0  }
0x22: {  	[sflag:s30] =	ssyncadd.s32 $0xFFFFC000  }
0x23: {  	_ =	swait.ge [sflag:s31], $0x4000  }
0x24: {  	s1 =	sadd.s32 $0x1, s1;
	s4 =	rddreg [dreg:$0x5]  }
0x25: {  	p0 =	sne.s32 s1, s4  }
.Ltmp1:
0x26: {  	_ = 	snop;
	(pc) =	sbr.rel @!p0 .LBB2_5-.Ltmp1, $3  }
0x27: {  	_ =	sdelay $0x1  }
0x28: {  	[sflag:s31] =	ssyncset.done $0x0  }
0x29: {  	[sflag:s31] =	ssyncadd.s32 $0xFFFFC000  }
.LBB2_1:
0x2a: {  	s4 =	rddreg [dreg:$0x4]  }
0x2b: {  	[tilespmem:s3], [sflag:$0xB] =	stream.linear.gather [hbm4b:s4+s3], $0x1900, $0x38;
	[tilespmem:$0x15C00] =	vst v63  }
0x2c: {  	_ =	swait.ge [sflag:s11], $0x1900  }
0x2d: {  	[sflag:s11] =	ssyncset.done $0x0  }
0x2e: {  	[sflag:s11] =	ssyncadd.s32 $0xFFFFE700  }
0x2f: {  	[tilespmem:s13], [sflag:$0x1] =	stream.indirect.gather [hbm4b:s2+s12], $0x80, s3, s12, $0xb8;
	[tilespmem:$0x15C00] =	vst v63  }
0x30: {  	s9 =	rddreg [dreg:$0x9]  }
0x31: {  	[tilespmem:s14], [sflag:$0x2] =	stream.indirect.gather [hbm4b:s2+s12], $0x80, s12, s12, $0xb8;
	[tilespmem:$0x15C00] =	vst v63  }
0x32: {  	s15 =	simm.s32 $0x100;
	s8 =	rddreg [dreg:$0x8]  }
0x33: {  	[tilespmem:s16], [sflag:$0x3] =	stream.indirect.gather [hbm4b:s2+s12], $0x80, s15, s12, $0xb8;
	[tilespmem:$0x15C00] =	vst v63  }
0x34: {  	s17 =	simm.s32 $0x180;
	s19 =	simm.s32 $0x200;
	s7 =	rddreg [dreg:$0x7]  }
0x35: {  	[tilespmem:s18], [sflag:$0x4] =	stream.indirect.gather [hbm4b:s2+s12], $0x80, s17, s12, $0xb8;
	[tilespmem:$0x15C00] =	vst v63  }
0x36: {  	s10 =	smov.u32 s0;
	s5 =	simm.s32 $0x0;
	s6 =	rddreg [dreg:$0x6]  }
0x37: {  	[tilespmem:s20], [sflag:$0x5] =	stream.indirect.gather [hbm4b:s2+s12], $0x80, s19, s12, $0xb8;
	[tilespmem:$0x15C00] =	vst v63  }
.LBB2_2:
0x38: {  	_ =	swait.ge [sflag:s21], $0x4000  }
0x39: {  	p0 =	seq.s32 s5, $0x0;
	[sflag:s21] =	ssyncset.done $0x0  }
0x3a: {  	s4 =	simm.s32 @!p0 $0x9;
	[sflag:s21] =	ssyncadd.s32 $0xFFFFC000  }
0x3b: {  	[hbm4b:s6+s3] =	stream.linear.scatter [tilespmem:s13], [sflag:$0x6], $0x4000, $0x38;
	[tilespmem:$0x15C00] =	vst v63  }
0x3c: {  	_ =	swait.ge @!p0 [sflag:s4], $0x4000  }
0x3d: {  	[sflag:s4] =	ssyncset.done @!p0 $0x0  }
0x3e: {  	[sflag:s4] =	ssyncadd.s32 @!p0 $0xFFFFC000;
	s4 =	sshra.s32 @!p0 s5, $0x2  }
0x3f: {  	s17 =	simm.s32 @!p0 $0x80;
	s15 =	simm.s32 @!p0 $0xDC00;
	s19 =	sadd.s32 @!p0 $0x180, s4  }
0x40: {  	[tilespmem:s15], [sflag:$0x4] =	stream.indirect.gather @!p0 [hbm4b:s2+s17], $0x80, s19, s17, $0xb8;
	[tilespmem:$0x15C00] =	vst v63  }
0x41: {  	_ =	swait.ge [sflag:s22], $0x4000  }
0x42: {  	[sflag:s22] =	ssyncset.done $0x0  }
0x43: {  	s15 =	simm.s32 @!p0 $0xA;
	[sflag:s22] =	ssyncadd.s32 $0xFFFFC000  }
0x44: {  	[hbm4b:s10+s3] =	stream.linear.scatter [tilespmem:s14], [sflag:$0x7], $0x4000, $0x38;
	[tilespmem:$0x15C00] =	vst v63  }
0x45: {  	_ =	swait.ge @!p0 [sflag:s15], $0x4000  }
0x46: {  	[sflag:s15] =	ssyncset.done @!p0 $0x0  }
0x47: {  	s4 =	sadd.s32 @!p0 $0x200, s4;
	[sflag:s15] =	ssyncadd.s32 @!p0 $0xFFFFC000;
	s15 =	simm.s32 @!p0 $0x11C00  }
0x48: {  	[tilespmem:s15], [sflag:$0x5] =	stream.indirect.gather @!p0 [hbm4b:s2+s17], $0x80, s4, s17, $0xb8;
	[tilespmem:$0x15C00] =	vst v63  }
0x49: {  	_ =	swait.ge [sflag:s23], $0x4000  }
0x4a: {  	p0 =	seq.s32 s5, $0x5A00;
	[sflag:s23] =	ssyncset.done $0x0  }
0x4b: {  	s4 =	simm.s32 @!p0 $0x6;
	[sflag:s23] =	ssyncadd.s32 $0xFFFFC000  }
0x4c: {  	[hbm4b:s9+s3] =	stream.linear.scatter [tilespmem:s16], [sflag:$0x8], $0x4000, $0x38;
	[tilespmem:$0x15C00] =	vst v63  }
0x4d: {  	_ =	swait.ge @!p0 [sflag:s4], $0x4000  }
0x4e: {  	[sflag:s4] =	ssyncset.done @!p0 $0x0  }
0x4f: {  	[sflag:s4] =	ssyncadd.s32 @!p0 $0xFFFFC000;
	s4 =	sshra.s32 @!p0 s5, $0x2  }
0x50: {  	s17 =	simm.s32 @!p0 $0x80;
	s19 =	simm.s32 @!p0 $0x1C00;
	s15 =	sadd.s32 @!p0 $0x280, s4  }
0x51: {  	[tilespmem:s19], [sflag:$0x1] =	stream.indirect.gather @!p0 [hbm4b:s2+s17], $0x80, s15, s17, $0xb8;
	[tilespmem:$0x15C00] =	vst v63  }
0x52: {  	_ =	swait.ge [sflag:s24], $0x4000  }
0x53: {  	[sflag:s24] =	ssyncset.done $0x0  }
0x54: {  	s15 =	simm.s32 @!p0 $0x7;
	[sflag:s24] =	ssyncadd.s32 $0xFFFFC000  }
0x55: {  	[hbm4b:s8+s3] =	stream.linear.scatter [tilespmem:s18], [sflag:$0x9], $0x4000, $0x38;
	[tilespmem:$0x15C00] =	vst v63  }
0x56: {  	_ =	swait.ge @!p0 [sflag:s15], $0x4000  }
0x57: {  	[sflag:s15] =	ssyncset.done @!p0 $0x0  }
0x58: {  	s4 =	sadd.s32 @!p0 $0x300, s4;
	[sflag:s15] =	ssyncadd.s32 @!p0 $0xFFFFC000;
	s15 =	simm.s32 @!p0 $0x5C00  }
0x59: {  	[tilespmem:s15], [sflag:$0x2] =	stream.indirect.gather @!p0 [hbm4b:s2+s17], $0x80, s4, s17, $0xb8;
	[tilespmem:$0x15C00] =	vst v63  }
.Ltmp2:
0x5a: {  	_ = 	snop;
	(pc) =	sbr.rel @p0 .LBB2_4-.Ltmp2, $4  }
0x5b: {  	_ =	swait.ge [sflag:s25], $0x4000  }
0x5c: {  	[sflag:s25] =	ssyncset.done $0x0  }
0x5d: {  	[sflag:s25] =	ssyncadd.s32 $0xFFFFC000  }
0x5e: {  	[hbm4b:s7+s3] =	stream.linear.scatter [tilespmem:s20], [sflag:$0xA], $0x4000, $0x38;
	[tilespmem:$0x15C00] =	vst v63  }
.Ltmp3:
0x5f: {  	_ =	swait.ge [sflag:s29], $0x4000;
	s4 =	sshra.s32 s5, $0x2;
	(pc) =	sbr.rel .LBB2_2-.Ltmp3, $4  }
0x60: {  	s5 =	sadd.s32 $0xA00, s5;
	s6 =	sadd.s32 $0x2800, s6;
	s7 =	sadd.s32 $0x2800, s7  }
0x61: {  	s8 =	sadd.s32 $0x2800, s8;
	s9 =	sadd.s32 $0x2800, s9;
	[sflag:s29] =	ssyncset.done $0x0  }
0x62: {  	s10 =	sadd.s32 $0x2800, s10;
	s4 =	sadd.s32 $0x380, s4;
	[sflag:s29] =	ssyncadd.s32 $0xFFFFC000  }
0x63: {  	[tilespmem:s16], [sflag:$0x3] =	stream.indirect.gather [hbm4b:s2+s12], $0x80, s4, s12, $0xb8;
	[tilespmem:$0x15C00] =	vst v63  }
.LBB2_5:
0x64: {  	_ =	sfence.sel $0x180000  }
0x65: {  	[bflag:$0x0] =	sbarrier.arrive $0xFFFF  }
0x66: {  	_ =	strace $0x90000047  }
0x67: {  	s0 =	stileid.u32;
	[bflag:$0x2] =	sbarrier.arrive $0xFFFF  }
0x68: {  	p0 =	sne.s32 s0, $0x0;
	s0 =	rddreg [dreg:$0x3]  }
0x69: {  	s0 =	sadd.s32 @!p0 $0x100000, s0  }
0x6a: {  	[sflag:s0] =	ssyncadd.tile.s32 @!p0 $0x1;
	_ =	shalt  }
.Lfunc_end2:
_tile_overlayer_lowered:
.L_overlay_start_2:
0x6b: {  	(tag) =	ssettag $0x2  }
0x6c: {  	s0 =	rddreg [dreg:$0x0];
	s2 =	stileid.u32  }
0x6d: {  	s1 =	rddreg [dreg:$0x1];
	p0 =	sne.s32 s2, $0x0  }
0x6e: {  	s3 =	rddreg [dreg:$0x2];
	[bflag:$0x3] =	sbarrier.arrive $0xFFFF;
	s2 =	simm.s32 @!p0 $0x1C0B  }
0x6f: {  	[timem:s3], [sflag:s2] =	dma.local @!p0 [hbm:s0], s1  }
0x70: {  	s0 =	simm.s32 @!p0 $0xB  }
0x71: {  	_ =	swait.ge @!p0 [sflag:s0], s1  }
0x72: {  	s1 =	ssub.s32 @!p0 $0x0, s1;
	[sflag:s0] =	ssyncset.done @!p0 $0x0  }
0x73: {  	[sflag:s0] =	ssyncadd.s32 @!p0 s1  }
0x74: {  	[bflag:$0x3] =	sbarrier.arrive $0xFFFF  }
0x75: {  	_ =	shalt  }

</sc_bundles>
